<compile_context>
chip_gen: v7x
topology: tpu7x:2x2x1
jax: 0.10.2.dev20260603
libtpu: 0.0.44.dev20260713+nightly
codegen_flags: <defaults>
</compile_context>

<pallas_src>
import functools

import jax
import jax.numpy as jnp
from jax import lax
from jax.experimental import pallas as pl
from jax.experimental.pallas import tpu as pltpu
from jax.experimental.pallas import tpu_sc as plsc

_V = 100000
_C = 128
_BR = 10000
_NB = _V // _BR

_NW = 32
_CH = 3136
_PAD = _NW * _CH - _V
_CB = 144


@functools.partial(
    pl.kernel,
    out_type=jax.ShapeDtypeStruct((_NW, _CB), jnp.int32),
    mesh=plsc.VectorSubcoreMesh(core_axis_name="c", subcore_axis_name="s"),
    scratch_types=[
        pltpu.VMEM((_CH,), jnp.int32),
        pltpu.VMEM((_CB,), jnp.int32),
    ],
    compiler_params=pltpu.CompilerParams(needs_layout_passes=False),
)
def _bincount_sc(label_hbm, out_hbm, idx_v, bins_v):
    wid = lax.axis_index("s") * 2 + lax.axis_index("c")
    pltpu.sync_copy(label_hbm.at[pl.ds(wid * _CH, _CH)], idx_v)
    for k in range(_CB // 16):
        bins_v[pl.ds(k * 16, 16)] = jnp.zeros((16,), jnp.int32)
    ones = jnp.ones((16,), jnp.int32)

    def body(j, carry):
        idx = idx_v[pl.ds(j * 16, 16)]
        plsc.addupdate_scatter(bins_v, [idx], ones)
        return carry

    lax.fori_loop(0, _CH // 16, body, 0)
    pltpu.sync_copy(bins_v, out_hbm.at[wid])


def _ce_body(pred_ref, label_ref, s_out):
    i = pl.program_id(0)

    @pl.when(i == 0)
    def _init():
        s_out[...] = jnp.zeros_like(s_out)

    x = pred_ref[...]
    m = jnp.max(x, axis=1, keepdims=True)
    d = x - m
    e = jnp.exp(d)
    ones_col = jnp.ones((_C, 1), jnp.float32)
    s = jax.lax.dot_general(e, ones_col, (((1,), (0,)), ((), ())),
                            preferred_element_type=jnp.float32)
    logs = jnp.log(s)
    lab = label_ref[0, 0, :]
    col = jax.lax.broadcasted_iota(jnp.int32, (_BR, _C), 1)
    is_lab = col == lab[:, None]
    oh = is_lab.astype(jnp.float32)
    z = jnp.where(is_lab, d, 0.0)
    ones_row = jnp.ones((1, _BR), jnp.float32)
    l_part = jax.lax.dot_general(logs, oh, (((0,), (0,)), ((), ())),
                                 preferred_element_type=jnp.float32)
    d_part = jax.lax.dot_general(ones_row, z, (((1,), (0,)), ((), ())),
                                 preferred_element_type=jnp.float32)
    s_out[...] += l_part - d_part


def _combine_body(bins_ref, s_ref, out_ref):
    cnt = jnp.sum(bins_ref[...], axis=0, keepdims=True)
    cs = cnt[:, :_C].astype(jnp.float32)
    w = (_V - cs) * (1.0 / _V) * (cs > 0).astype(jnp.float32)
    num = jnp.sum(w * s_ref[...])
    den = jnp.sum(w * cs)
    out_ref[...] = jnp.reshape(num / den, (1, 1))


def kernel(pred, label):
    lab_i = label.astype(jnp.int32)
    lab_pad = jnp.concatenate(
        [lab_i, jnp.full((_PAD,), _C, jnp.int32)])
    bins = _bincount_sc(lab_pad)
    lab3 = lab_i.reshape(_NB, 1, _BR)
    s_vec = pl.pallas_call(
        _ce_body,
        grid=(_NB,),
        in_specs=[
            pl.BlockSpec((_BR, _C), lambda i: (i, 0)),
            pl.BlockSpec((1, 1, _BR), lambda i: (i, 0, 0)),
        ],
        out_specs=pl.BlockSpec((1, _C), lambda i: (0, 0)),
        out_shape=jax.ShapeDtypeStruct((1, _C), jnp.float32),
        compiler_params=pltpu.CompilerParams(
            dimension_semantics=("arbitrary",)
        ),
    )(pred, lab3)
    out = pl.pallas_call(
        _combine_body,
        out_shape=jax.ShapeDtypeStruct((1, 1), jnp.float32),
    )(bins, s_vec)
    return out[0, 0]

# --- scband reference (transcript-rebuilt; emitter-appended) ---
"""Pipeline reference for scband-my-criterion-69080253989604 (READ-ONLY COPY).

The authoritative reference and input builder live on the scoring server;
editing this copy changes nothing except your own understanding.
"""

import jax, jax.numpy as jnp
import numpy as np

N_CLASSES = 128


def setup_inputs(seed: int = 0) -> dict:
    key = jax.random.key(seed)
    k1, k2 = jax.random.split(key)
    pred = jax.random.normal(k1, (100000, N_CLASSES), dtype=jnp.float32)
    label = jax.random.randint(k2, (100000,), 0, N_CLASSES, dtype=jnp.int64)
    return {"pred": pred, "label": label}


def reference(pred, label):
    V = label.shape[0]
    n_classes = pred.shape[1]
    # cluster_sizes[c] = count of samples with label c (equivalent to the
    # bincount / nonzero / unique scatter in the torch code)
    cluster_sizes = jnp.bincount(label, length=n_classes)
    weight = (V - cluster_sizes).astype(jnp.float32) / float(V)
    weight = weight * (cluster_sizes > 0).astype(jnp.float32)
    # weighted cross-entropy, torch 'mean' reduction: sum(w_i * nll_i) / sum(w_i)
    logp = jax.nn.log_softmax(pred, axis=-1)
    nll = -jnp.take_along_axis(logp, label[:, None], axis=1).squeeze(1)
    w = weight[label]
    loss = jnp.sum(w * nll) / jnp.sum(w)
    return loss

if __name__ == "__main__":
    import jax
    _d = setup_inputs()
    print(jax.jit(kernel)(*tuple(_d.values())))

</pallas_src>

<mosaic_0001>
#map = affine_map<(d0, d1) -> (0)>
#map1 = affine_map<(d0, d1) -> (0, 0)>
module attributes {stable_mosaic.version = 14 : i64} {
  func.func @_bincount_sc(%arg0: i32, %arg1: i32, %arg2: memref<100352xi32, #tpu.memory_space<hbm>>, %arg3: memref<32x144xi32, #tpu.memory_space<hbm>>, %arg4: memref<3136xi32, #tpu.memory_space<vmem>>, %arg5: memref<144xi32, #tpu.memory_space<vmem>>) attributes {dimension_semantics = [#tpu.dimension_semantics<core_parallel>, #tpu.dimension_semantics<subcore_parallel>], iteration_bounds = array<i64: 2, 16>, scalar_prefetch = 0 : i64, scratch_operands = 2 : i64, tpu.core_type = #tpu.core_type<sc_vector_subcore>, window_params = [{transform_indices = #map}, {transform_indices = #map1}]} {
    %mul3A = arith.constant 2 : i32
    %mul3A_0 = arith.muli %arg1, %mul3A : i32
    %add3A = arith.addi %mul3A_0, %arg0 : i32
    %mul3A_1 = arith.constant 3136 : i32
    %mul3A_2 = arith.muli %add3A, %mul3A_1 : i32
    "tpu.region"() ({
      %run_scoped3A = tpu.sem_alloc : memref<!tpu.dma_semaphore, #tpu.memory_space<semaphore_mem>>
      %dma_start3A = tpu.memref_slice %arg2[%mul3A_2] : memref<100352xi32, #tpu.memory_space<hbm>> -> memref<3136xi32, #tpu.memory_space<hbm>>
      %dma_start3A_44 = tpu.memref_slice %arg2[%mul3A_2] : memref<100352xi32, #tpu.memory_space<hbm>> -> memref<3136xi32, #tpu.memory_space<hbm>>
      tpu.enqueue_dma source(%dma_start3A_44 : memref<3136xi32, #tpu.memory_space<hbm>>) target(%arg4 : memref<3136xi32, #tpu.memory_space<vmem>>) target_semaphore(%run_scoped3A : memref<!tpu.dma_semaphore, #tpu.memory_space<semaphore_mem>>)
      %dma_wait3A = tpu.memref_slice %arg2[%mul3A_2] : memref<100352xi32, #tpu.memory_space<hbm>> -> memref<3136xi32, #tpu.memory_space<hbm>>
      %dma_wait3A_45 = tpu.memref_slice %arg2[%mul3A_2] : memref<100352xi32, #tpu.memory_space<hbm>> -> memref<3136xi32, #tpu.memory_space<hbm>>
      tpu.wait_dma2 semaphore(%run_scoped3A : memref<!tpu.dma_semaphore, #tpu.memory_space<semaphore_mem>>) src(%dma_wait3A_45 : memref<3136xi32, #tpu.memory_space<hbm>>) dst(%arg4 : memref<3136xi32, #tpu.memory_space<vmem>>)
      tpu.yield
    }) : () -> ()
    %broadcast_in_dim3A = arith.constant 0 : i32
    %broadcast_in_dim3A_3 = vector.broadcast %broadcast_in_dim3A : i32 to vector<16xi32>
    %swap3A = arith.constant 0 : index
    %swap3A_4 = tpu.vector_load %arg5[%swap3A] {strides = array<i32>} : memref<144xi32, #tpu.memory_space<vmem>>, vector<16xi32>,
    tpu.vector_store %arg5[%swap3A], %broadcast_in_dim3A_3 {strides = array<i32>} : memref<144xi32, #tpu.memory_space<vmem>>, vector<16xi32>,
    %broadcast_in_dim3A_5 = arith.constant 0 : i32
    %broadcast_in_dim3A_6 = vector.broadcast %broadcast_in_dim3A_5 : i32 to vector<16xi32>
    %swap3A_7 = arith.constant 16 : index
    %swap3A_8 = tpu.vector_load %arg5[%swap3A_7] {strides = array<i32>} : memref<144xi32, #tpu.memory_space<vmem>>, vector<16xi32>,
    tpu.vector_store %arg5[%swap3A_7], %broadcast_in_dim3A_6 {strides = array<i32>} : memref<144xi32, #tpu.memory_space<vmem>>, vector<16xi32>,
    %broadcast_in_dim3A_9 = arith.constant 0 : i32
    %broadcast_in_dim3A_10 = vector.broadcast %broadcast_in_dim3A_9 : i32 to vector<16xi32>
    %swap3A_11 = arith.constant 32 : index
    %swap3A_12 = tpu.vector_load %arg5[%swap3A_11] {strides = array<i32>} : memref<144xi32, #tpu.memory_space<vmem>>, vector<16xi32>,
    tpu.vector_store %arg5[%swap3A_11], %broadcast_in_dim3A_10 {strides = array<i32>} : memref<144xi32, #tpu.memory_space<vmem>>, vector<16xi32>,
    %broadcast_in_dim3A_13 = arith.constant 0 : i32
    %broadcast_in_dim3A_14 = vector.broadcast %broadcast_in_dim3A_13 : i32 to vector<16xi32>
    %swap3A_15 = arith.constant 48 : index
    %swap3A_16 = tpu.vector_load %arg5[%swap3A_15] {strides = array<i32>} : memref<144xi32, #tpu.memory_space<vmem>>, vector<16xi32>,
    tpu.vector_store %arg5[%swap3A_15], %broadcast_in_dim3A_14 {strides = array<i32>} : memref<144xi32, #tpu.memory_space<vmem>>, vector<16xi32>,
    %broadcast_in_dim3A_17 = arith.constant 0 : i32
    %broadcast_in_dim3A_18 = vector.broadcast %broadcast_in_dim3A_17 : i32 to vector<16xi32>
    %swap3A_19 = arith.constant 64 : index
    %swap3A_20 = tpu.vector_load %arg5[%swap3A_19] {strides = array<i32>} : memref<144xi32, #tpu.memory_space<vmem>>, vector<16xi32>,
    tpu.vector_store %arg5[%swap3A_19], %broadcast_in_dim3A_18 {strides = array<i32>} : memref<144xi32, #tpu.memory_space<vmem>>, vector<16xi32>,
    %broadcast_in_dim3A_21 = arith.constant 0 : i32
    %broadcast_in_dim3A_22 = vector.broadcast %broadcast_in_dim3A_21 : i32 to vector<16xi32>
    %swap3A_23 = arith.constant 80 : index
    %swap3A_24 = tpu.vector_load %arg5[%swap3A_23] {strides = array<i32>} : memref<144xi32, #tpu.memory_space<vmem>>, vector<16xi32>,
    tpu.vector_store %arg5[%swap3A_23], %broadcast_in_dim3A_22 {strides = array<i32>} : memref<144xi32, #tpu.memory_space<vmem>>, vector<16xi32>,
    %broadcast_in_dim3A_25 = arith.constant 0 : i32
    %broadcast_in_dim3A_26 = vector.broadcast %broadcast_in_dim3A_25 : i32 to vector<16xi32>
    %swap3A_27 = arith.constant 96 : index
    %swap3A_28 = tpu.vector_load %arg5[%swap3A_27] {strides = array<i32>} : memref<144xi32, #tpu.memory_space<vmem>>, vector<16xi32>,
    tpu.vector_store %arg5[%swap3A_27], %broadcast_in_dim3A_26 {strides = array<i32>} : memref<144xi32, #tpu.memory_space<vmem>>, vector<16xi32>,
    %broadcast_in_dim3A_29 = arith.constant 0 : i32
    %broadcast_in_dim3A_30 = vector.broadcast %broadcast_in_dim3A_29 : i32 to vector<16xi32>
    %swap3A_31 = arith.constant 112 : index
    %swap3A_32 = tpu.vector_load %arg5[%swap3A_31] {strides = array<i32>} : memref<144xi32, #tpu.memory_space<vmem>>, vector<16xi32>,
    tpu.vector_store %arg5[%swap3A_31], %broadcast_in_dim3A_30 {strides = array<i32>} : memref<144xi32, #tpu.memory_space<vmem>>, vector<16xi32>,
    %broadcast_in_dim3A_33 = arith.constant 0 : i32
    %broadcast_in_dim3A_34 = vector.broadcast %broadcast_in_dim3A_33 : i32 to vector<16xi32>
    %swap3A_35 = arith.constant 128 : index
    %swap3A_36 = tpu.vector_load %arg5[%swap3A_35] {strides = array<i32>} : memref<144xi32, #tpu.memory_space<vmem>>, vector<16xi32>,
    tpu.vector_store %arg5[%swap3A_35], %broadcast_in_dim3A_34 {strides = array<i32>} : memref<144xi32, #tpu.memory_space<vmem>>, vector<16xi32>,
    %broadcast_in_dim3A_37 = arith.constant 1 : i32
    %broadcast_in_dim3A_38 = vector.broadcast %broadcast_in_dim3A_37 : i32 to vector<16xi32>
    %scan3A = arith.constant 0 : i32
    %scan3A_39 = arith.constant 0 : i32
    %scan3A_40 = arith.constant 196 : i32
    %scan3A_41 = arith.addi %scan3A_39, %scan3A_40 : i32
    %scan3A_42 = arith.constant 1 : i32
    scf.for %scan3A_44 = %scan3A_39 to %scan3A_41 step %scan3A_42  : i32 {
      %mul3A_45 = arith.constant 16 : i32
      %mul3A_46 = arith.muli %scan3A_44, %mul3A_45 : i32
      %get3A = arith.index_cast %mul3A_46 : i32 to index
      %get3A_47 = tpu.vector_load %arg4[%get3A] {strides = array<i32>} : memref<3136xi32, #tpu.memory_space<vmem>>, vector<16xi32>,
      tpu.vector_store_idx %arg5[%get3A_47], %broadcast_in_dim3A_38 {add = true} : memref<144xi32, #tpu.memory_space<vmem>>[vector<16xi32>], vector<16xi32>,
    }
    %scan3A_43 = arith.constant 196 : i32
    "tpu.region"() ({
      %run_scoped3A = tpu.sem_alloc : memref<!tpu.dma_semaphore, #tpu.memory_space<semaphore_mem>>
      %dma_start3A = arith.constant 0 : i32
      %dma_start3A_44 = tpu.memref_slice %arg3[%add3A, %dma_start3A] : memref<32x144xi32, #tpu.memory_space<hbm>> -> memref<1x144xi32, #tpu.memory_space<hbm>>
      %dma_start3A_45 = tpu.memref_squeeze %dma_start3A_44 : memref<1x144xi32, #tpu.memory_space<hbm>> -> memref<144xi32, #tpu.memory_space<hbm>>
      %dma_start3A_46 = arith.constant 0 : i32
      %dma_start3A_47 = tpu.memref_slice %arg3[%add3A, %dma_start3A_46] : memref<32x144xi32, #tpu.memory_space<hbm>> -> memref<1x144xi32, #tpu.memory_space<hbm>>
      %dma_start3A_48 = tpu.memref_squeeze %dma_start3A_47 : memref<1x144xi32, #tpu.memory_space<hbm>> -> memref<144xi32, #tpu.memory_space<hbm>>
      tpu.enqueue_dma source(%arg5 : memref<144xi32, #tpu.memory_space<vmem>>) target(%dma_start3A_48 : memref<144xi32, #tpu.memory_space<hbm>>) target_semaphore(%run_scoped3A : memref<!tpu.dma_semaphore, #tpu.memory_space<semaphore_mem>>)
      %dma_wait3A = arith.constant 0 : i32
      %dma_wait3A_49 = tpu.memref_slice %arg3[%add3A, %dma_wait3A] : memref<32x144xi32, #tpu.memory_space<hbm>> -> memref<1x144xi32, #tpu.memory_space<hbm>>
      %dma_wait3A_50 = tpu.memref_squeeze %dma_wait3A_49 : memref<1x144xi32, #tpu.memory_space<hbm>> -> memref<144xi32, #tpu.memory_space<hbm>>
      %dma_wait3A_51 = arith.constant 0 : i32
      %dma_wait3A_52 = tpu.memref_slice %arg3[%add3A, %dma_wait3A_51] : memref<32x144xi32, #tpu.memory_space<hbm>> -> memref<1x144xi32, #tpu.memory_space<hbm>>
      %dma_wait3A_53 = tpu.memref_squeeze %dma_wait3A_52 : memref<1x144xi32, #tpu.memory_space<hbm>> -> memref<144xi32, #tpu.memory_space<hbm>>
      tpu.wait_dma2 semaphore(%run_scoped3A : memref<!tpu.dma_semaphore, #tpu.memory_space<semaphore_mem>>) src(%arg5 : memref<144xi32, #tpu.memory_space<vmem>>) dst(%dma_wait3A_53 : memref<144xi32, #tpu.memory_space<hbm>>)
      tpu.yield
    }) : () -> ()
    return
  }
}

module attributes {stable_mosaic.version = 14 : i64} {
  func.func @_combine_body(%arg0: memref<32x144xi32, #tpu.memory_space<vmem>>, %arg1: memref<1x128xf32, #tpu.memory_space<vmem>>, %arg2: memref<1x1xf32, #tpu.memory_space<vmem>>) attributes {dimension_semantics = [], scalar_prefetch = 0 : i64, scratch_operands = 0 : i64, tpu.core_type = #tpu.core_type<tc>} {
    %get3A = arith.constant 0 : index
    %get3A_0 = arith.constant 0 : index
    %get3A_1 = vector.load %arg0[%get3A, %get3A_0] : memref<32x144xi32, #tpu.memory_space<vmem>>, vector<32x144xi32>
    %reduce_sum3A = arith.constant dense<0> : vector<144xi32>
    %reduce_sum3A_2 = vector.multi_reduction <add>, %get3A_1, %reduce_sum3A [0] : vector<32x144xi32> to vector<144xi32>
    %broadcast_in_dim3A = vector.shape_cast %reduce_sum3A_2 : vector<144xi32> to vector<1x144xi32>
    %slice3A = vector.extract_strided_slice %broadcast_in_dim3A {offsets = [0, 0], sizes = [1, 128], strides = [1, 1]} : vector<1x144xi32> to vector<1x128xi32>
    %convert_element_type3A = arith.sitofp %slice3A : vector<1x128xi32> to vector<1x128xf32>
    %sub3A = arith.constant 1.000000e+05 : f32
    %sub3A_3 = vector.broadcast %sub3A : f32 to vector<1x128xf32>
    %sub3A_4 = arith.subf %sub3A_3, %convert_element_type3A : vector<1x128xf32>
    %mul3A = arith.constant 9.99999974E-6 : f32
    %mul3A_5 = vector.broadcast %mul3A : f32 to vector<1x128xf32>
    %mul3A_6 = arith.mulf %sub3A_4, %mul3A_5 : vector<1x128xf32>
    %gt3A = arith.constant 0.000000e+00 : f32
    %gt3A_7 = vector.broadcast %gt3A : f32 to vector<1x128xf32>
    %gt3A_8 = arith.cmpf ogt, %convert_element_type3A, %gt3A_7 : vector<1x128xf32>
    %convert_element_type3A_9 = arith.extui %gt3A_8 : vector<1x128xi1> to vector<1x128xi32>
    %convert_element_type3A_10 = arith.sitofp %convert_element_type3A_9 : vector<1x128xi32> to vector<1x128xf32>
    %mul3A_11 = arith.mulf %mul3A_6, %convert_element_type3A_10 : vector<1x128xf32>
    %get3A_12 = arith.constant 0 : index
    %get3A_13 = arith.constant 0 : index
    %get3A_14 = vector.load %arg1[%get3A_12, %get3A_13] : memref<1x128xf32, #tpu.memory_space<vmem>>, vector<1x128xf32>
    %mul3A_15 = arith.mulf %mul3A_11, %get3A_14 : vector<1x128xf32>
    %reduce_sum3A_16 = vector.shape_cast %mul3A_15 : vector<1x128xf32> to vector<1x1x128xf32>
    %reduce_sum3A_17 = arith.constant dense<0.000000e+00> : vector<1xf32>
    %reduce_sum3A_18 = vector.multi_reduction <add>, %reduce_sum3A_16, %reduce_sum3A_17 [1, 2] : vector<1x1x128xf32> to vector<1xf32>
    %reduce_sum3A_19 = vector.shape_cast %reduce_sum3A_18 : vector<1xf32> to vector<1x1x1xf32>
    %reduce_sum3A_20 = vector.extract %reduce_sum3A_19[0, 0, 0] : f32 from vector<1x1x1xf32>
    %mul3A_21 = arith.mulf %mul3A_11, %convert_element_type3A : vector<1x128xf32>
    %reduce_sum3A_22 = vector.shape_cast %mul3A_21 : vector<1x128xf32> to vector<1x1x128xf32>
    %reduce_sum3A_23 = arith.constant dense<0.000000e+00> : vector<1xf32>
    %reduce_sum3A_24 = vector.multi_reduction <add>, %reduce_sum3A_22, %reduce_sum3A_23 [1, 2] : vector<1x1x128xf32> to vector<1xf32>
    %reduce_sum3A_25 = vector.shape_cast %reduce_sum3A_24 : vector<1xf32> to vector<1x1x1xf32>
    %reduce_sum3A_26 = vector.extract %reduce_sum3A_25[0, 0, 0] : f32 from vector<1x1x1xf32>
    %div3A = arith.divf %reduce_sum3A_20, %reduce_sum3A_26 : f32
    %reshape3A = vector.broadcast %div3A : f32 to vector<1x1xf32>
    %swap3A = arith.constant 0 : index
    %swap3A_27 = arith.constant 0 : index
    %swap3A_28 = vector.load %arg2[%swap3A, %swap3A_27] : memref<1x1xf32, #tpu.memory_space<vmem>>, vector<1x1xf32>
    tpu.vector_store %arg2[%swap3A, %swap3A_27], %reshape3A {strides = array<i32>} : memref<1x1xf32, #tpu.memory_space<vmem>>, vector<1x1xf32>,
    return
  }
}

module attributes {stable_mosaic.version = 14 : i64} {
  func.func @_ce_body(%arg0: i32, %arg1: memref<10000x128xf32, #tpu.memory_space<vmem>>, %arg2: memref<1x1x10000xi32, #tpu.memory_space<vmem>>, %arg3: memref<1x128xf32, #tpu.memory_space<vmem>>) attributes {dimension_semantics = [#tpu.dimension_semantics<arbitrary>], iteration_bounds = array<i64: 10>, scalar_prefetch = 0 : i64, scratch_operands = 0 : i64, tpu.core_type = #tpu.core_type<tc>, window_params = [{transform_indices = @transform_0, window_bounds = array<i64: 10000, 128>}, {transform_indices = @transform_1, window_bounds = array<i64: 1, 1, 10000>}, {pipeline_mode = #tpu.pipeline_mode<synchronous>, transform_indices = @transform_2, window_bounds = array<i64: 1, 128>}]} {
    %eq3A = arith.constant 0 : i32
    %eq3A_0 = arith.cmpi eq, %arg0, %eq3A : i32
    %convert_element_type3A = arith.extui %eq3A_0 : i1 to i32
    %cond3A = arith.constant 0 : i32
    %cond3A_1 = arith.cmpi ne, %convert_element_type3A, %cond3A : i32
    scf.if %cond3A_1 {
      %broadcast_in_dim3A_32 = arith.constant 0.000000e+00 : f32
      %broadcast_in_dim3A_33 = vector.broadcast %broadcast_in_dim3A_32 : f32 to vector<1x128xf32>
      %swap3A_34 = arith.constant 0 : index
      %swap3A_35 = arith.constant 0 : index
      %swap3A_36 = vector.load %arg3[%swap3A_34, %swap3A_35] : memref<1x128xf32, #tpu.memory_space<vmem>>, vector<1x128xf32>
      tpu.vector_store %arg3[%swap3A_34, %swap3A_35], %broadcast_in_dim3A_33 {strides = array<i32>} : memref<1x128xf32, #tpu.memory_space<vmem>>, vector<1x128xf32>,
    } else {
    }
    %get3A = arith.constant 0 : index
    %get3A_2 = arith.constant 0 : index
    %get3A_3 = vector.load %arg1[%get3A, %get3A_2] : memref<10000x128xf32, #tpu.memory_space<vmem>>, vector<10000x128xf32>
    %reduce_max3A = arith.constant dense<0xFF800000> : vector<10000xf32>
    %reduce_max3A_4 = vector.multi_reduction <maximumf>, %get3A_3, %reduce_max3A [1] : vector<10000x128xf32> to vector<10000xf32>
    %broadcast_in_dim3A = vector.shape_cast %reduce_max3A_4 : vector<10000xf32> to vector<10000x1xf32>
    %sub3A = vector.broadcast %broadcast_in_dim3A : vector<10000x1xf32> to vector<10000x128xf32>
    %sub3A_5 = arith.subf %get3A_3, %sub3A : vector<10000x128xf32>
    %exp3A = math.exp %sub3A_5 : vector<10000x128xf32>
    %broadcast_in_dim3A_6 = arith.constant 1.000000e+00 : f32
    %broadcast_in_dim3A_7 = vector.broadcast %broadcast_in_dim3A_6 : f32 to vector<128x1xf32>
    %dot_general3A = arith.constant dense<0.000000e+00> : vector<10000x1xf32>
    %dot_general3A_8 = tpu.matmul %exp3A, %broadcast_in_dim3A_7, %dot_general3A {dimension_numbers = #tpu.dot_dimension_numbers<[1], [0], [0], [1], [0, 0, 1, 1], [], []>, transpose_lhs_hint = false} : vector<10000x128xf32>, vector<128x1xf32>, vector<10000x1xf32> -> vector<10000x1xf32>
    %log3A = math.log %dot_general3A_8 : vector<10000x1xf32>
    %get3A_9 = arith.constant 0 : index
    %get3A_10 = arith.constant 0 : index
    %get3A_11 = arith.constant 0 : index
    %get3A_12 = vector.load %arg2[%get3A_9, %get3A_10, %get3A_11] : memref<1x1x10000xi32, #tpu.memory_space<vmem>>, vector<1x1x10000xi32>
    %get3A_13 = vector.shape_cast %get3A_12 : vector<1x1x10000xi32> to vector<10000xi32>
    %iota3A = tpu.iota {dimensions = array<i32: 1>} : vector<10000x128xi32>
    %broadcast_in_dim3A_14 = vector.shape_cast %get3A_13 : vector<10000xi32> to vector<10000x1xi32>
    %eq3A_15 = vector.broadcast %broadcast_in_dim3A_14 : vector<10000x1xi32> to vector<10000x128xi32>
    %eq3A_16 = arith.cmpi eq, %iota3A, %eq3A_15 : vector<10000x128xi32>
    %convert_element_type3A_17 = arith.extui %eq3A_16 : vector<10000x128xi1> to vector<10000x128xi32>
    %convert_element_type3A_18 = arith.sitofp %convert_element_type3A_17 : vector<10000x128xi32> to vector<10000x128xf32>
    %jit3A = arith.constant 0.000000e+00 : f32
    %broadcast_in_dim3A_19 = vector.broadcast %jit3A : f32 to vector<10000x128xf32>
    %select_n3A = arith.select %eq3A_16, %sub3A_5, %broadcast_in_dim3A_19 : vector<10000x128xi1>, vector<10000x128xf32>
    %broadcast_in_dim3A_20 = arith.constant 1.000000e+00 : f32
    %broadcast_in_dim3A_21 = vector.broadcast %broadcast_in_dim3A_20 : f32 to vector<1x10000xf32>
    %dot_general3A_22 = arith.constant dense<0.000000e+00> : vector<1x128xf32>
    %dot_general3A_23 = tpu.matmul %log3A, %convert_element_type3A_18, %dot_general3A_22 {dimension_numbers = #tpu.dot_dimension_numbers<[0], [0], [1], [1], [0, 1, 1, 1], [], []>, transpose_lhs_hint = false} : vector<10000x1xf32>, vector<10000x128xf32>, vector<1x128xf32> -> vector<1x128xf32>
    %dot_general3A_24 = arith.constant dense<0.000000e+00> : vector<1x128xf32>
    %dot_general3A_25 = tpu.matmul %broadcast_in_dim3A_21, %select_n3A, %dot_general3A_24 {dimension_numbers = #tpu.dot_dimension_numbers<[1], [0], [0], [1], [0, 0, 1, 1], [], []>, transpose_lhs_hint = false} : vector<1x10000xf32>, vector<10000x128xf32>, vector<1x128xf32> -> vector<1x128xf32>
    %get3A_26 = arith.constant 0 : index
    %get3A_27 = arith.constant 0 : index
    %get3A_28 = vector.load %arg3[%get3A_26, %get3A_27] : memref<1x128xf32, #tpu.memory_space<vmem>>, vector<1x128xf32>
    %sub3A_29 = arith.subf %dot_general3A_23, %dot_general3A_25 : vector<1x128xf32>
    %add3A = arith.addf %get3A_28, %sub3A_29 : vector<1x128xf32>
    %swap3A = arith.constant 0 : index
    %swap3A_30 = arith.constant 0 : index
    %swap3A_31 = vector.load %arg3[%swap3A, %swap3A_30] : memref<1x128xf32, #tpu.memory_space<vmem>>, vector<1x128xf32>
    tpu.vector_store %arg3[%swap3A, %swap3A_30], %add3A {strides = array<i32>} : memref<1x128xf32, #tpu.memory_space<vmem>>, vector<1x128xf32>,
    return
  }
  func.func @transform_0(%arg0: i32) -> (i32, i32) {
    %c0_i32 = arith.constant 0 : i32
    %c0_i32_0 = arith.constant 0 : i32
    return %arg0, %c0_i32 : i32, i32
  }
  func.func @transform_1(%arg0: i32) -> (i32, i32, i32) {
    %c0_i32 = arith.constant 0 : i32
    %c0_i32_0 = arith.constant 0 : i32
    %c0_i32_1 = arith.constant 0 : i32
    return %arg0, %c0_i32, %c0_i32_0 : i32, i32, i32
  }
  func.func @transform_2(%arg0: i32) -> (i32, i32) {
    %c0_i32 = arith.constant 0 : i32
    %c0_i32_0 = arith.constant 0 : i32
    %c0_i32_1 = arith.constant 0 : i32
    return %c0_i32, %c0_i32_0 : i32, i32
  }
}

</mosaic_0001>

<sc_bundles>
// kernel: kernel.5.cloned.1.call-start
scs
__scs_entry_jumppad:
0x0: {  	(pc) =	sbr.rel $0x88, $3  }
0x1: {  	(tag) =	ssettag $0x0;
	lr =	simm.s32 $0x1  }
0x2: {  	[smem:$0x3F9F] =	sst lr;
	_ =	strace $0xD0000000  }
0x3: {  	_ = 	snop  }
0x4: {  	_ = 	snop  }
0x5: {  	_ = 	snop  }
0x6: {  	_ = 	snop  }
0x7: {  	_ = 	snop  }
__scs_overlays_trampoline_lowered:
0x8: {  	[smem:$0x3FAE] =	sst s0  }
0x9: {  	[smem:$0x3FAF] =	sst s1  }
0xa: {  	[smem:$0x3FB0] =	sst s2  }
0xb: {  	[smem:$0x3FB1] =	sst s3  }
0xc: {  	[smem:$0x3FB2] =	sst s4  }
0xd: {  	[smem:$0x3FB3] =	sst s5  }
0xe: {  	[smem:$0x3FB4] =	sst s6  }
0xf: {  	[smem:$0x3FB5] =	sst s7  }
0x10: {  	[smem:$0x3FB6] =	sst s8  }
0x11: {  	[smem:$0x3FB7] =	sst s9;
	s0 =	simm.s32 @!p0 $0x0  }
0x12: {  	s1 =	sld [smem:$0x3F9D];
	s0 =	simm.s32 @p0 $0x1  }
0x13: {  	[smem:$0x3FB8] =	sst s0;
	s0 =	simm.s32 @!p1 $0x0  }
0x14: {  	s2 =	sld [smem:$0x3F9C];
	s0 =	simm.s32 @p1 $0x1  }
0x15: {  	[smem:$0x3FB9] =	sst s0;
	s0 =	simm.s32 @!p2 $0x0  }
0x16: {  	s3 =	sld [smem:$0x3FDB];
	s0 =	simm.s32 @p2 $0x1  }
0x17: {  	s4 =	simm.s32 $0x1BF5;
	[smem:$0x3FBB] =	sst s0  }
0x18: {  	s0 =	sld [smem:$0x3F9E];
	_ =	swait.ge [sflag:s4], $0x0  }
0x19: {  	s7 =	sld [smem:$0x3F9F]  }
0x1a: {  	s8 =	sadd.s32 $0xFFFFE003, lr  }
0x1b: {  	s9 =	sadd.s32 $0xFFFFFEF7, lr;
	s5 =	simm.s32 $0xFFFFFFFF;
	p2 =	slt.u32 s8, $0xFFFFF086  }
0x1c: {  	p1 =	slt.u32 s9, $0xF7A;
	s5 =	simm.s32 @!p2 $0x0  }
0x1d: {  	s5 =	simm.s32 @p1 $0x1;
	p0 =	seq.s32 s7, s2  }
0x1e: {  	s7 =	smul.u32 @!p0 $0xF7A, s2;
	p2 =	seq.s32 @!p0 s5, $0x0  }
0x1f: {  	s9 =	smul.u32 $0xF7A, s1;
	s8 =	simm.s32 @!p0 $0x1BF5;
	p2 =	por !p2, p0  }
0x20: {  	[sflag:s8] =	ssyncset.s32 @!p0 $0xFFFFF086;
	s6 =	sadd.s32 @!p0 s3, s7;
	s7 =	simm.s32 @!p0 $0x108  }
0x21: {  	s3 =	sadd.s32 s3, s9;
	s6 =	sadd.s32 @!p0 $0x88, s6;
	s7 =	simm.s32 @p2 $0x1082  }
0x22: {  	[simem:s7], [sflag:s8] =	dma.local @!p0 [hbm:s6], $0xF7A  }
0x23: {  	s9 =	sor.u32 $0xD0000000, s2;
	s6 =	simm.s32 $0x108;
	_ =	swait.ge @!p0 [sflag:s8], $0x0  }
0x24: {  	s3 =	sadd.s32 $0x88, s3;
	s6 =	simm.s32 @!p1 $0x1082;
	[sflag:s4] =	ssyncset.s32 $0xFFFFF086  }
0x25: {  	[simem:s6], [sflag:s4] =	dma.local [hbm:s3], $0xF7A  }
0x26: {  	[smem:$0x3F9F] =	sst s1;
	(tag) =	ssettag s2;
	_ =	strace s9  }
0x27: {  	s1 =	sld [smem:$0x3FAF]  }
0x28: {  	s2 =	sld [smem:$0x3FB0]  }
0x29: {  	s4 =	sld [smem:$0x3FB2]  }
0x2a: {  	p0 =	seq.s32 s5, $0x0;
	s5 =	sld [smem:$0x3FB3]  }
0x2b: {  	s6 =	sld [smem:$0x3FB4]  }
0x2c: {  	s7 =	sld [smem:$0x3FB5]  }
0x2d: {  	s3 =	simm.s32 $0x108;
	s8 =	sld [smem:$0x3FB6]  }
0x2e: {  	s3 =	simm.s32 @!p0 $0x1082;
	s9 =	sld [smem:$0x3FB7]  }
0x2f: {  	lr =	sadd.s32 s0, s3;
	s0 =	sld [smem:$0x3FAE]  }
0x30: {  	s3 =	sld [smem:$0x3FB1]  }
0x31: {  	[smem:$0x3FBA] =	sst s10  }
0x32: {  	s10 =	sld [smem:$0x3FB8];
	_ =	sdelay $0x3  }
0x33: {  	p0 =	seq.s32 s10, $0x1;
	s10 =	sld [smem:$0x3FBA];
	_ =	sdelay $0x3  }
0x34: {  	[smem:$0x3FBA] =	sst s10  }
0x35: {  	s10 =	sld [smem:$0x3FB9];
	_ =	sdelay $0x3  }
0x36: {  	p1 =	seq.s32 s10, $0x1;
	s10 =	sld [smem:$0x3FBA];
	_ =	sdelay $0x3  }
0x37: {  	[smem:$0x3FBA] =	sst s10  }
0x38: {  	s10 =	sld [smem:$0x3FBB]  }
0x39: {  	_ = 	snop;
	(pc) =	sbr.ind lr, $3  }
0x3a: {  	_ = 	snop  }
0x3b: {  	_ = 	snop  }
0x3c: {  	p2 =	seq.s32 s10, $0x1;
	s10 =	sld [smem:$0x3FBA]  }
0x3d: {  	_ =	shalt  }
0x3e: {  	_ =	shalt  }
0x3f: {  	_ =	shalt  }
0x40: {  	_ =	shalt  }
0x41: {  	_ =	shalt  }
0x42: {  	_ =	shalt  }
0x43: {  	_ =	shalt  }
0x44: {  	_ =	shalt  }
0x45: {  	_ =	shalt  }
0x46: {  	_ =	shalt  }
0x47: {  	_ =	shalt  }
0x48: {  	_ =	shalt  }
0x49: {  	_ =	shalt  }
0x4a: {  	_ =	shalt  }
0x4b: {  	_ =	shalt  }
0x4c: {  	_ =	shalt  }
0x4d: {  	_ =	shalt  }
0x4e: {  	_ =	shalt  }
0x4f: {  	_ =	shalt  }
0x50: {  	_ =	shalt  }
0x51: {  	_ =	shalt  }
0x52: {  	_ =	shalt  }
0x53: {  	_ =	shalt  }
0x54: {  	_ =	shalt  }
0x55: {  	_ =	shalt  }
0x56: {  	_ =	shalt  }
0x57: {  	_ =	shalt  }
0x58: {  	_ =	shalt  }
0x59: {  	_ =	shalt  }
0x5a: {  	_ =	shalt  }
0x5b: {  	_ =	shalt  }
0x5c: {  	_ =	shalt  }
0x5d: {  	_ =	shalt  }
0x5e: {  	_ =	shalt  }
0x5f: {  	_ =	shalt  }
0x60: {  	_ =	shalt  }
0x61: {  	_ =	shalt  }
0x62: {  	_ =	shalt  }
0x63: {  	_ =	shalt  }
0x64: {  	_ =	shalt  }
0x65: {  	_ =	shalt  }
0x66: {  	_ =	shalt  }
0x67: {  	_ =	shalt  }
0x68: {  	_ =	shalt  }
0x69: {  	_ =	shalt  }
0x6a: {  	_ =	shalt  }
0x6b: {  	_ =	shalt  }
0x6c: {  	_ =	shalt  }
0x6d: {  	_ =	shalt  }
0x6e: {  	_ =	shalt  }
0x6f: {  	_ =	shalt  }
0x70: {  	_ =	shalt  }
0x71: {  	_ =	shalt  }
0x72: {  	_ =	shalt  }
0x73: {  	_ =	shalt  }
0x74: {  	_ =	shalt  }
0x75: {  	_ =	shalt  }
0x76: {  	_ =	shalt  }
0x77: {  	_ =	shalt  }
0x78: {  	_ =	shalt  }
0x79: {  	_ =	shalt  }
0x7a: {  	_ =	shalt  }
0x7b: {  	_ =	shalt  }
0x7c: {  	_ =	shalt  }
0x7d: {  	_ =	shalt  }
0x7e: {  	_ =	shalt  }
0x7f: {  	_ =	shalt  }
0x80: {  	_ =	shalt  }
0x81: {  	_ =	shalt  }
0x82: {  	_ =	shalt  }
0x83: {  	_ =	shalt  }
0x84: {  	_ =	shalt  }
0x85: {  	_ =	shalt  }
0x86: {  	_ =	shalt  }
0x87: {  	_ =	shalt  }
.Lfunc_end0:
.L_simem_size_0:
called_computation_lowered:
.L_overlay_start_0:
0x88: {  	s2 =	sld [smem:$0x3FD9]  }
0x89: {  	s3 =	sld [smem:$0x3FFE];
	_ =	sdelay $0x1  }
0x8a: {  	s1 =	srdreg.scid  }
0x8b: {  	s0 =	sand.u32 $0x1, s1  }
0x8c: {  	s16 =	sshll.u32 s0, $0xA;
	s2 =	sadd.s32 s3, s2  }
0x8d: {  	s2 =	sadd.s32 s2, s16  }
0x8e: {  	[smem:$0x3FC6] =	sst s2  }
0x8f: {  	_ = 	snop  }
0x90: {  	(tm) =	ssettm $0x1  }
0x91: {  	s17 =	sld [smem:$0x3FFB];
	_ =	sdelay $0x3  }
0x92: {  	_ =	strace s17  }
0x93: {  	s2 =	sld [smem:$0x3FFC];
	_ =	sdelay $0x3  }
0x94: {  	_ =	strace s2  }
0x95: {  	s2 =	sld [smem:$0x3FFD];
	_ =	sdelay $0x3  }
0x96: {  	_ =	strace s2  }
0x97: {  	_ =	strace $0x8FFFFFFF  }
0x98: {  	s18 =	sld [smem:$0x3FDB];
	_ =	sdelay $0x1  }
0x99: {  	s19 =	simm.s32 $_scs_section_size  }
0x9a: {  	s4 =	simm.s32 $_size__tile_overlayer_lowered;
	s5 =	simm.s32 $_tile_overlayer_lowered  }
0x9b: {  	s22 =	simm.s32 $0x1BFF;
	s21 =	sshll.u32 s5, $0x1;
	s2 =	sadd.s32 s19, s18  }
0x9c: {  	s6 =	simm.s32 $0x0;
	s20 =	sshll.u32 s4, $0x1;
	s4 =	sadd.s32 s21, s2  }
0x9d: {  	[timem:s6], [sflag:s22] =	dma.local [hbm:s4], s20  }
0x9e: {  	_ =	swait.ge [sflag:s22], s20  }
0x9f: {  	s3 =	ssub.s32 $0x0, s20;
	[sflag:s22] =	ssyncset.done $0x0  }
0xa0: {  	[sflag:s22] =	ssyncadd.s32 s3;
	_ =	sdelay $0x1  }
0xa1: {  	s23 =	simm.s32 $0x1B8B  }
0xa2: {  	_ =	swait.ge [sflag:s23], $0x1  }
0xa3: {  	[sflag:s23] =	ssyncset.done $0x0  }
0xa4: {  	s25 =	simm.s32 $0x1B8E;
	s24 =	sld [smem:$0x3FFE];
	[sflag:s23] =	ssyncadd.s32 $0xFFFFFFFF  }
0xa5: {  	s26 =	simm.s32 $execute0_lowered;
	[smem:$0x3FD2] =	sst s25  }
0xa6: {  	s4 =	sshll.u32 s26, $0x1;
	_ =	strace $0x80000046;
	[dreg:$0x1] =	wrdreg $0xFFFFFFFF  }
0xa7: {  	s28 =	simm.s32 $_size_execute0_lowered;
	s2 =	sadd.s32 s2, s4;
	[dreg:$0x0] =	wrdreg $0x0  }
0xa8: {  	s4 =	sshll.u32 s28, $0x1;
	[dreg:$0x2] =	wrdreg s2  }
0xa9: {  	[dreg:$0x3] =	wrdreg s4  }
0xaa: {  	[dreg:$0x4] =	wrdreg $0xC0  }
0xab: {  	_ =	task [dreg:s6], $0x5FFFF  }
0xac: {  	[dreg:$0x1] =	wrdreg $0xFFFFFFFF  }
0xad: {  	[dreg:$0x0] =	wrdreg $0x60  }
0xae: {  	[dreg:$0x2] =	wrdreg s24  }
0xaf: {  	[dreg:$0x3] =	wrdreg $0x9  }
0xb0: {  	_ =	task.clear_ibuf [dreg:s6], $0x4FFFF;
	_ =	strace $0x90000046  }
0xb1: {  	s29 =	simm.s32 $0x9;
	_ =	strace $0x80000048  }
0xb2: {  	_ =	swait.ge [sflag:s29], $0x1  }
0xb3: {  	[sflag:s29] =	ssyncadd.s32 $0xFFFFFFFF  }
0xb4: {  	_ =	strace $0x90000048  }
0xb5: {  	_ =	sfence  }
0xb6: {  	s30 =	sld [smem:$0x0];
	_ =	sdelay $0x2  }
0xb7: {  	s31 =	sshll.u32 s1, $0xD;
	s1 =	sshrl.u32 s1, $0x2  }
0xb8: {  	s3 =	sand.u32 $0x4000, s31;
	s1 =	sadd.s32 s1, s30  }
0xb9: {  	s0 =	sor.u32 s3, s0;
	s1 =	sshll.u32 s1, $0x11  }
0xba: {  	s0 =	sor.u32 s1, s0  }
0xbb: {  	s0 =	sadd.s32 $0x8F2B, s0  }
0xbc: {  	[sflag:s0] =	ssyncadd.remote.s32 $0x1  }
0xbd: {  	_ =	sfence.sel $0xFFFF  }
0xbe: {  	[dreg:$0x0] =	wrdreg $0xFFFFFFFF;
	(pc) =	sbr.abs _section_cstart, $3  }
0xbf: {  	[dreg:$0x1] =	wrdreg $0xFFFFFFFF  }
0xc0: {  	_ =	task.clear_ibuf [dreg:s6], $0x2FFFF;
	_ =	strace $0x9FFFFFFF  }
0xc1: {  	(tm) =	ssettm $0x7FFFFFFF  }
tec
execute0_lowered:
.L_overlay_start_1:
0x0: {  	(tag) =	ssettag $0x1  }
0x1: {  	s3 =	rddreg [dreg:$0x0]  }
0x2: {  	s0 =	rddreg [dreg:$0x1]  }
0x3: {  	s2 =	simm.s32 $0x0;
	s4 =	srdreg.scid;
	s1 =	stileid.u32  }
0x4: {  	s8 =	simm.s32 $0x80;
	s9 =	simm.s32 $0x400;
	s10 =	simm.s32 $0x0  }
0x5: {  	[smem:$0x7FF] =	sst s2;
	s4 =	sand.u32 $0x1, s4;
	s5 =	sshll.u32 s1, $0x1  }
0x6: {  	s6 =	sshll.u32 s1, $0x6;
	_ =	strace $0x80000047;
	s5 =	sor.u32 s4, s5  }
0x7: {  	s6 =	sand.u32 $0x300, s6;
	s4 =	ssub.s32 $0x2, s4;
	s7 =	smul.u32 $0x188, s5  }
0x8: {  	s5 =	sshll.u32 s5, $0x4;
	s6 =	sadd.s32 s6, s3;
	s30 =	sshrl.u32 s4, $0x1  }
0x9: {  	s5 =	sand.u32 $0x70, s5;
	s31 =	ssub.s32 s4, s30;
	s3 =	sadd.s32 s7, s3  }
0xa: {  	s5 =	sadd.s32 s5, s6;
	s6 =	simm.s32 $0x1;
	s7 =	simm.s32 $0xC80  }
0xb: {  	v0 =	vimm.s32 $0x0;
	v1 =	vimm.s32 $0x1;
	s3 =	sadd.s32 $0x600, s3;
	s4 =	sadd.s32 $0x3800, s5;
	s5 =	smax.u32 s31, $0x1  }
.LBB2_1:
0xc: {  	[tilespmem:s2], [sflag:$0x1] =	stream.linear.gather [hbm4b:s3+s2], $0xC40, $0x38;
	[tilespmem:$0xD80] =	vst v63  }
0xd: {  	_ =	swait.ge [sflag:s6], $0xC40  }
0xe: {  	[sflag:s6] =	ssyncset.done $0x0  }
0xf: {  	[sflag:s6] =	ssyncadd.s32 $0xFFFFF3C0  }
0x10: {  	[tilespmem:$0xC80] =	vst v0  }
0x11: {  	[tilespmem:$0xC90] =	vst v0  }
0x12: {  	[tilespmem:$0xCA0] =	vst v0  }
0x13: {  	[tilespmem:$0xCB0] =	vst v0  }
0x14: {  	[tilespmem:$0xCC0] =	vst v0  }
0x15: {  	[tilespmem:$0xCD0] =	vst v0  }
0x16: {  	[tilespmem:$0xCE0] =	vst v0  }
0x17: {  	[tilespmem:$0xCF0] =	vst v0  }
0x18: {  	s12 =	simm.s32 $0x0;
	s11 =	simm.s32 $0x40;
	[tilespmem:$0xD00] =	vst v0  }
.LBB2_2:
0x19: {  	p0 =	sne.s32 s11, $0x30C0;
	v2 =	vld [tilespmem:s12+$0x0];
	_ =	sdelay $0x3  }
.Ltmp0:
0x1a: {  	(pc) =	sbr.rel @p0 .LBB2_2-.Ltmp0, $2  }
0x1b: {  	_ =	sdelay $0x2  }
0x1c: {  	s12 =	sshra.s32 s11, $0x2;
	s11 =	sadd.s32 $0x40, s11;
	[tilespmem:v2+s7+$0x0] =	vst.idx.add.s32.msk $0xffff, v1  }
0x1d: {  	v2 =	vld [tilespmem:s12+$0x0];
	_ =	sdelay $0x5  }
0x1e: {  	s10 =	sadd.s32 $0x1, s10  }
0x1f: {  	p0 =	sne.s32 s10, s5  }
.Ltmp1:
0x20: {  	[tilespmem:v2+s7+$0x0] =	vst.idx.add.s32.msk $0xffff, v1;
	(pc) =	sbr.rel @p0 .LBB2_1-.Ltmp1, $4  }
0x21: {  	[hbm4b:s4+s8] =	stream.strided.scatter [tilespmem:s7], [sflag:$0x1], $0x100, s9, s8, $0x38;
	[tilespmem:$0xD80] =	vst v63  }
0x22: {  	_ =	swait.ge [sflag:s6], $0x100  }
0x23: {  	[sflag:s6] =	ssyncset.done $0x0  }
0x24: {  	[sflag:s6] =	ssyncadd.s32 $0xFFFFFF00  }
0x25: {  	_ =	sfence.sel $0x180000  }
0x26: {  	[bflag:$0x0] =	sbarrier.arrive $0xFFFF  }
0x27: {  	p0 =	sne.s32 s1, $0x0;
	_ =	strace $0x90000047  }
0x28: {  	s0 =	sadd.s32 @!p0 $0x100000, s0;
	[bflag:$0x2] =	sbarrier.arrive $0xFFFF  }
0x29: {  	[sflag:s0] =	ssyncadd.tile.s32 @!p0 $0x1;
	_ =	shalt  }
.Lfunc_end2:
_tile_overlayer_lowered:
.L_overlay_start_2:
0x2a: {  	(tag) =	ssettag $0x2  }
0x2b: {  	s0 =	rddreg [dreg:$0x0];
	s2 =	stileid.u32  }
0x2c: {  	s1 =	rddreg [dreg:$0x1];
	p0 =	sne.s32 s2, $0x0  }
0x2d: {  	s3 =	rddreg [dreg:$0x2];
	[bflag:$0x3] =	sbarrier.arrive $0xFFFF;
	s2 =	simm.s32 @!p0 $0x1C01  }
0x2e: {  	[timem:s3], [sflag:s2] =	dma.local @!p0 [hbm:s0], s1  }
0x2f: {  	s0 =	simm.s32 @!p0 $0x1  }
0x30: {  	_ =	swait.ge @!p0 [sflag:s0], s1  }
0x31: {  	s1 =	ssub.s32 @!p0 $0x0, s1;
	[sflag:s0] =	ssyncset.done @!p0 $0x0  }
0x32: {  	[sflag:s0] =	ssyncadd.s32 @!p0 s1  }
0x33: {  	[bflag:$0x3] =	sbarrier.arrive $0xFFFF  }
0x34: {  	_ =	shalt  }

</sc_bundles>
